<compile_context>
chip_gen: v7x
topology: tpu7x:2x2x1
jax: 0.10.2.dev20260603
libtpu: 0.0.44.dev20260713+nightly
codegen_flags: <defaults>
</compile_context>

<pallas_src>
import functools

import jax
import jax.numpy as jnp
from jax import lax
from jax.experimental import pallas as pl
from jax.experimental.pallas import tpu as pltpu
from jax.experimental.pallas import tpu_sc as plsc

_BLK = 512
_L = 16


def _gidx(v, idxs):
    dnums = lax.GatherDimensionNumbers(
        offset_dims=(), collapsed_slice_dims=(0,), start_index_map=(0,)
    )
    return lax.gather(
        v, idxs.reshape(_L, 1), dnums, slice_sizes=(1,),
        mode=lax.GatherScatterMode.PROMISE_IN_BOUNDS,
    )


def _bcast(v, lane):
    return _gidx(v, jnp.full((_L,), lane, jnp.int32))


def _butterfly(v, op):
    idx = lax.iota(jnp.int32, _L)
    for k in (1, 2, 4, 8):
        v = op(v, _gidx(v, idx ^ k))
    return v


def _gate_sc_body(sim_hbm, p_hbm, sim_v, p_v):
    pltpu.sync_copy(sim_hbm, sim_v)
    v = sim_v[pl.ds(0, _L)]
    maskv = sim_v[pl.ds(_L, _L)]
    hot0 = sim_v[pl.ds(2 * _L, _L)]
    total = _butterfly(v * maskv, jnp.add)
    s0 = _bcast(v, 0)
    hw = _bcast(v, 8)
    mean = (total - s0) / 7.0
    adj = v * (1.0 - hot0) + mean * hot0
    adjm = adj * maskv + (-1e30) * (1.0 - maskv)
    m = _butterfly(adjm, jnp.maximum)
    ex = jnp.exp(adjm - m) * maskv
    soft = ex / _butterfly(ex, jnp.add)
    onehot = jnp.exp(1e4 * (adjm - m)) * maskv
    p_v[...] = soft + hw * (onehot - soft)
    pltpu.sync_copy(p_v, p_hbm)


_gate_sc = functools.partial(
    pl.kernel,
    out_type=jax.ShapeDtypeStruct((_L,), jnp.float32),
    mesh=plsc.VectorSubcoreMesh(core_axis_name="c", subcore_axis_name="s"),
    scratch_types=[
        pltpu.VMEM((3 * _L,), jnp.float32),
        pltpu.VMEM((_L,), jnp.float32),
    ],
)(_gate_sc_body)


def _scale_body(hw_ref, sim_ref, lm_ref, out_ref, s_ref):
    j = pl.program_id(0)
    per_e = pl.num_programs(0) // sim_ref.shape[1]
    e = j // per_e

    @pl.when(j % per_e == 0)
    def _():
        ne = sim_ref.shape[1]
        sim = sim_ref[...]
        idx = jax.lax.broadcasted_iota(jnp.int32, (1, ne), 1)
        total = jnp.sum(sim)
        s0 = jnp.sum(jnp.where(idx == 0, sim, 0.0))
        mean_rest = (total - s0) / (ne - 1)
        adj = jnp.where(idx == 0, mean_rest, sim)
        m = jnp.max(adj)
        ex = jnp.exp(adj - m)
        soft = ex / jnp.sum(ex)
        amax = jnp.min(jnp.where(adj == m, idx, ne))
        onehot = (idx == amax).astype(jnp.float32)
        pvec = jnp.where(hw_ref[0] > 0.5, onehot, soft)
        s_ref[0] = jnp.sum(jnp.where(idx == e, pvec, 0.0))

    out_ref[...] = lm_ref[...] * s_ref[0]


def kernel(lm_logits, encoder_hidden, decoder_hidden, n_expert, similarity, hard_weight):
    del encoder_hidden, decoder_hidden, n_expert
    ne, Ld, vocab = lm_logits.shape
    simf = similarity.astype(jnp.float32)
    sim2 = simf.reshape(1, ne)
    hw = jnp.asarray(hard_weight, jnp.float32).reshape(1)
    maskv = jnp.concatenate([jnp.ones((8,), jnp.float32), jnp.zeros((8,), jnp.float32)])
    hot0 = jnp.zeros((_L,), jnp.float32).at[0].set(1.0)
    sim48 = jnp.concatenate(
        [simf, hw, jnp.zeros((_L - ne - 1,), jnp.float32), maskv, hot0]
    )
    p16 = _gate_sc(sim48)
    p = jnp.broadcast_to(p16[:ne].reshape(ne, 1, 1), (ne, Ld, 1))
    nblk = ne * Ld // _BLK
    lm_flat = lm_logits.reshape(nblk, _BLK, vocab)
    out = pl.pallas_call(
        _scale_body,
        grid=(nblk,),
        in_specs=[
            pl.BlockSpec(memory_space=pltpu.SMEM),
            pl.BlockSpec((1, ne), lambda j: (0, 0)),
            pl.BlockSpec((1, _BLK, vocab), lambda j: (j, 0, 0)),
        ],
        out_specs=pl.BlockSpec((1, _BLK, vocab), lambda j: (j, 0, 0)),
        out_shape=jax.ShapeDtypeStruct((nblk, _BLK, vocab), jnp.float32),
        scratch_shapes=[pltpu.SMEM((1,), jnp.float32)],
        compiler_params=pltpu.CompilerParams(
            dimension_semantics=("arbitrary",),
        ),
    )(hw, sim2, lm_flat)
    return (out.reshape(ne, Ld, vocab), p)

# --- scband reference (transcript-rebuilt; emitter-appended) ---
"""Pipeline reference for scband-knowledge-selection-73942156967998 (READ-ONLY COPY).

The authoritative reference and input builder live on the scoring server;
editing this copy changes nothing except your own understanding.
"""

import jax, jax.numpy as jnp
import numpy as np


def setup_inputs(seed: int = 0) -> dict:
    key = jax.random.key(seed)
    k1, k2, k3, k4 = jax.random.split(key, 4)
    Bsz = 1
    n_expert = 8
    Ld = 2048
    Le = 2048
    d_model = 1024
    vocab = 4096
    return {
        "lm_logits": jax.random.normal(k1, (Bsz * n_expert, Ld, vocab), dtype=jnp.float32),
        "encoder_hidden": jax.random.normal(k2, (Bsz * n_expert, Le, d_model), dtype=jnp.float32),
        "decoder_hidden": jax.random.normal(k3, (Bsz * n_expert, Ld, d_model), dtype=jnp.float32),
        "n_expert": 8,
        "similarity": jax.random.normal(k4, (Bsz * n_expert,), dtype=jnp.float32),
        "hard_weight": False,
    }


def reference(lm_logits, encoder_hidden, decoder_hidden, n_expert, similarity, hard_weight):
    Ld = decoder_hidden.shape[1]
    ne = similarity.shape[0]
    _p = similarity.reshape(-1, ne, 1)
    _p = _p + jnp.zeros((), dtype=_p.dtype) * jnp.asarray(n_expert, dtype=_p.dtype)
    # p[:, 0, :] = mean(_p[:, 1:, :], dim=1)
    p = _p.at[:, 0, :].set(jnp.mean(_p[:, 1:, :], axis=1))
    max_indices = jnp.argmax(p, axis=1, keepdims=True)  # [B, 1, 1]
    onehot = (jnp.arange(ne)[None, :, None] == max_indices).astype(p.dtype)
    soft = jax.nn.softmax(p, axis=1)
    p = jnp.where(hard_weight, onehot, soft)
    p = p.reshape(-1, 1, 1)
    p = jnp.broadcast_to(p, (p.shape[0], Ld, 1))
    output_logits = lm_logits * p
    return (output_logits, p)

if __name__ == "__main__":
    import jax
    _d = setup_inputs()
    print(jax.jit(kernel)(*tuple(_d.values())))

</pallas_src>

<mosaic_0001>
#map = affine_map<(d0, d1) -> (0)>
module attributes {stable_mosaic.version = 14 : i64} {
  func.func @_gate_sc_body(%arg0: i32, %arg1: i32, %arg2: memref<48xf32, #tpu.memory_space<hbm>>, %arg3: memref<16xf32, #tpu.memory_space<hbm>>, %arg4: memref<48xf32, #tpu.memory_space<vmem>>, %arg5: memref<16xf32, #tpu.memory_space<vmem>>) attributes {dimension_semantics = [#tpu.dimension_semantics<core_parallel>, #tpu.dimension_semantics<subcore_parallel>], iteration_bounds = array<i64: 2, 16>, scalar_prefetch = 0 : i64, scratch_operands = 2 : i64, tpu.core_type = #tpu.core_type<sc_vector_subcore>, window_params = [{transform_indices = #map}, {transform_indices = #map}]} {
    "tpu.region"() ({
      %run_scoped3A = tpu.sem_alloc : memref<!tpu.dma_semaphore, #tpu.memory_space<semaphore_mem>>
      tpu.enqueue_dma source(%arg2 : memref<48xf32, #tpu.memory_space<hbm>>) target(%arg4 : memref<48xf32, #tpu.memory_space<vmem>>) target_semaphore(%run_scoped3A : memref<!tpu.dma_semaphore, #tpu.memory_space<semaphore_mem>>)
      tpu.wait_dma2 semaphore(%run_scoped3A : memref<!tpu.dma_semaphore, #tpu.memory_space<semaphore_mem>>) src(%arg2 : memref<48xf32, #tpu.memory_space<hbm>>) dst(%arg4 : memref<48xf32, #tpu.memory_space<vmem>>)
      tpu.yield
    }) : () -> ()
    %get3A = arith.constant 0 : index
    %get3A_0 = tpu.vector_load %arg4[%get3A] {strides = array<i32>} : memref<48xf32, #tpu.memory_space<vmem>>, vector<16xf32>,
    %get3A_1 = vector.shape_cast %get3A_0 : vector<16xf32> to vector<16xf32>
    %get3A_2 = arith.constant 16 : index
    %get3A_3 = tpu.vector_load %arg4[%get3A_2] {strides = array<i32>} : memref<48xf32, #tpu.memory_space<vmem>>, vector<16xf32>,
    %get3A_4 = vector.shape_cast %get3A_3 : vector<16xf32> to vector<16xf32>
    %get3A_5 = arith.constant 32 : index
    %get3A_6 = tpu.vector_load %arg4[%get3A_5] {strides = array<i32>} : memref<48xf32, #tpu.memory_space<vmem>>, vector<16xf32>,
    %get3A_7 = vector.shape_cast %get3A_6 : vector<16xf32> to vector<16xf32>
    %mul3A = arith.mulf %get3A_1, %get3A_4 : vector<16xf32>
    %iota3A = tpu.iota {dimensions = array<i32: 0>} : vector<16xi32>
    %xor3A = arith.constant 1 : i32
    %xor3A_8 = vector.broadcast %xor3A : i32 to vector<16xi32>
    %xor3A_9 = arith.xori %iota3A, %xor3A_8 : vector<16xi32>
    %reshape3A = vector.shape_cast %xor3A_9 : vector<16xi32> to vector<16x1xi32>
    %gather3A = vector.shape_cast %reshape3A : vector<16x1xi32> to vector<16xi32>
    %gather3A_10 = tpu.dynamic_gather %mul3A[%gather3A] in [0] : vector<16xf32>, vector<16xi32> -> vector<16xf32>
    %add3A = arith.addf %mul3A, %gather3A_10 : vector<16xf32>
    %xor3A_11 = arith.constant 2 : i32
    %xor3A_12 = vector.broadcast %xor3A_11 : i32 to vector<16xi32>
    %xor3A_13 = arith.xori %iota3A, %xor3A_12 : vector<16xi32>
    %reshape3A_14 = vector.shape_cast %xor3A_13 : vector<16xi32> to vector<16x1xi32>
    %gather3A_15 = vector.shape_cast %reshape3A_14 : vector<16x1xi32> to vector<16xi32>
    %gather3A_16 = tpu.dynamic_gather %add3A[%gather3A_15] in [0] : vector<16xf32>, vector<16xi32> -> vector<16xf32>
    %add3A_17 = arith.addf %add3A, %gather3A_16 : vector<16xf32>
    %xor3A_18 = arith.constant 4 : i32
    %xor3A_19 = vector.broadcast %xor3A_18 : i32 to vector<16xi32>
    %xor3A_20 = arith.xori %iota3A, %xor3A_19 : vector<16xi32>
    %reshape3A_21 = vector.shape_cast %xor3A_20 : vector<16xi32> to vector<16x1xi32>
    %gather3A_22 = vector.shape_cast %reshape3A_21 : vector<16x1xi32> to vector<16xi32>
    %gather3A_23 = tpu.dynamic_gather %add3A_17[%gather3A_22] in [0] : vector<16xf32>, vector<16xi32> -> vector<16xf32>
    %add3A_24 = arith.addf %add3A_17, %gather3A_23 : vector<16xf32>
    %xor3A_25 = arith.constant 8 : i32
    %xor3A_26 = vector.broadcast %xor3A_25 : i32 to vector<16xi32>
    %xor3A_27 = arith.xori %iota3A, %xor3A_26 : vector<16xi32>
    %reshape3A_28 = vector.shape_cast %xor3A_27 : vector<16xi32> to vector<16x1xi32>
    %gather3A_29 = vector.shape_cast %reshape3A_28 : vector<16x1xi32> to vector<16xi32>
    %gather3A_30 = tpu.dynamic_gather %add3A_24[%gather3A_29] in [0] : vector<16xf32>, vector<16xi32> -> vector<16xf32>
    %add3A_31 = arith.addf %add3A_24, %gather3A_30 : vector<16xf32>
    %broadcast_in_dim3A = arith.constant 0 : i32
    %broadcast_in_dim3A_32 = vector.broadcast %broadcast_in_dim3A : i32 to vector<16xi32>
    %reshape3A_33 = vector.shape_cast %broadcast_in_dim3A_32 : vector<16xi32> to vector<16x1xi32>
    %gather3A_34 = vector.shape_cast %reshape3A_33 : vector<16x1xi32> to vector<16xi32>
    %gather3A_35 = tpu.dynamic_gather %get3A_1[%gather3A_34] in [0] : vector<16xf32>, vector<16xi32> -> vector<16xf32>
    %broadcast_in_dim3A_36 = arith.constant 8 : i32
    %broadcast_in_dim3A_37 = vector.broadcast %broadcast_in_dim3A_36 : i32 to vector<16xi32>
    %reshape3A_38 = vector.shape_cast %broadcast_in_dim3A_37 : vector<16xi32> to vector<16x1xi32>
    %gather3A_39 = vector.shape_cast %reshape3A_38 : vector<16x1xi32> to vector<16xi32>
    %gather3A_40 = tpu.dynamic_gather %get3A_1[%gather3A_39] in [0] : vector<16xf32>, vector<16xi32> -> vector<16xf32>
    %sub3A = arith.subf %add3A_31, %gather3A_35 : vector<16xf32>
    %div3A = arith.constant 7.000000e+00 : f32
    %div3A_41 = vector.broadcast %div3A : f32 to vector<16xf32>
    %div3A_42 = arith.divf %sub3A, %div3A_41 : vector<16xf32>
    %sub3A_43 = arith.constant 1.000000e+00 : f32
    %sub3A_44 = vector.broadcast %sub3A_43 : f32 to vector<16xf32>
    %sub3A_45 = arith.subf %sub3A_44, %get3A_7 : vector<16xf32>
    %mul3A_46 = arith.mulf %get3A_1, %sub3A_45 : vector<16xf32>
    %mul3A_47 = arith.mulf %div3A_42, %get3A_7 : vector<16xf32>
    %add3A_48 = arith.addf %mul3A_46, %mul3A_47 : vector<16xf32>
    %mul3A_49 = arith.mulf %add3A_48, %get3A_4 : vector<16xf32>
    %sub3A_50 = arith.constant 1.000000e+00 : f32
    %sub3A_51 = vector.broadcast %sub3A_50 : f32 to vector<16xf32>
    %sub3A_52 = arith.subf %sub3A_51, %get3A_4 : vector<16xf32>
    %mul3A_53 = arith.constant -1.000000e+30 : f32
    %mul3A_54 = vector.broadcast %mul3A_53 : f32 to vector<16xf32>
    %mul3A_55 = arith.mulf %mul3A_54, %sub3A_52 : vector<16xf32>
    %add3A_56 = arith.addf %mul3A_49, %mul3A_55 : vector<16xf32>
    %iota3A_57 = tpu.iota {dimensions = array<i32: 0>} : vector<16xi32>
    %xor3A_58 = arith.constant 1 : i32
    %xor3A_59 = vector.broadcast %xor3A_58 : i32 to vector<16xi32>
    %xor3A_60 = arith.xori %iota3A_57, %xor3A_59 : vector<16xi32>
    %reshape3A_61 = vector.shape_cast %xor3A_60 : vector<16xi32> to vector<16x1xi32>
    %gather3A_62 = vector.shape_cast %reshape3A_61 : vector<16x1xi32> to vector<16xi32>
    %gather3A_63 = tpu.dynamic_gather %add3A_56[%gather3A_62] in [0] : vector<16xf32>, vector<16xi32> -> vector<16xf32>
    %max3A = arith.maximumf %add3A_56, %gather3A_63 : vector<16xf32>
    %xor3A_64 = arith.constant 2 : i32
    %xor3A_65 = vector.broadcast %xor3A_64 : i32 to vector<16xi32>
    %xor3A_66 = arith.xori %iota3A_57, %xor3A_65 : vector<16xi32>
    %reshape3A_67 = vector.shape_cast %xor3A_66 : vector<16xi32> to vector<16x1xi32>
    %gather3A_68 = vector.shape_cast %reshape3A_67 : vector<16x1xi32> to vector<16xi32>
    %gather3A_69 = tpu.dynamic_gather %max3A[%gather3A_68] in [0] : vector<16xf32>, vector<16xi32> -> vector<16xf32>
    %max3A_70 = arith.maximumf %max3A, %gather3A_69 : vector<16xf32>
    %xor3A_71 = arith.constant 4 : i32
    %xor3A_72 = vector.broadcast %xor3A_71 : i32 to vector<16xi32>
    %xor3A_73 = arith.xori %iota3A_57, %xor3A_72 : vector<16xi32>
    %reshape3A_74 = vector.shape_cast %xor3A_73 : vector<16xi32> to vector<16x1xi32>
    %gather3A_75 = vector.shape_cast %reshape3A_74 : vector<16x1xi32> to vector<16xi32>
    %gather3A_76 = tpu.dynamic_gather %max3A_70[%gather3A_75] in [0] : vector<16xf32>, vector<16xi32> -> vector<16xf32>
    %max3A_77 = arith.maximumf %max3A_70, %gather3A_76 : vector<16xf32>
    %xor3A_78 = arith.constant 8 : i32
    %xor3A_79 = vector.broadcast %xor3A_78 : i32 to vector<16xi32>
    %xor3A_80 = arith.xori %iota3A_57, %xor3A_79 : vector<16xi32>
    %reshape3A_81 = vector.shape_cast %xor3A_80 : vector<16xi32> to vector<16x1xi32>
    %gather3A_82 = vector.shape_cast %reshape3A_81 : vector<16x1xi32> to vector<16xi32>
    %gather3A_83 = tpu.dynamic_gather %max3A_77[%gather3A_82] in [0] : vector<16xf32>, vector<16xi32> -> vector<16xf32>
    %max3A_84 = arith.maximumf %max3A_77, %gather3A_83 : vector<16xf32>
    %sub3A_85 = arith.subf %add3A_56, %max3A_84 : vector<16xf32>
    %exp3A = math.exp %sub3A_85 : vector<16xf32>
    %mul3A_86 = arith.mulf %exp3A, %get3A_4 : vector<16xf32>
    %iota3A_87 = tpu.iota {dimensions = array<i32: 0>} : vector<16xi32>
    %xor3A_88 = arith.constant 1 : i32
    %xor3A_89 = vector.broadcast %xor3A_88 : i32 to vector<16xi32>
    %xor3A_90 = arith.xori %iota3A_87, %xor3A_89 : vector<16xi32>
    %reshape3A_91 = vector.shape_cast %xor3A_90 : vector<16xi32> to vector<16x1xi32>
    %gather3A_92 = vector.shape_cast %reshape3A_91 : vector<16x1xi32> to vector<16xi32>
    %gather3A_93 = tpu.dynamic_gather %mul3A_86[%gather3A_92] in [0] : vector<16xf32>, vector<16xi32> -> vector<16xf32>
    %add3A_94 = arith.addf %mul3A_86, %gather3A_93 : vector<16xf32>
    %xor3A_95 = arith.constant 2 : i32
    %xor3A_96 = vector.broadcast %xor3A_95 : i32 to vector<16xi32>
    %xor3A_97 = arith.xori %iota3A_87, %xor3A_96 : vector<16xi32>
    %reshape3A_98 = vector.shape_cast %xor3A_97 : vector<16xi32> to vector<16x1xi32>
    %gather3A_99 = vector.shape_cast %reshape3A_98 : vector<16x1xi32> to vector<16xi32>
    %gather3A_100 = tpu.dynamic_gather %add3A_94[%gather3A_99] in [0] : vector<16xf32>, vector<16xi32> -> vector<16xf32>
    %add3A_101 = arith.addf %add3A_94, %gather3A_100 : vector<16xf32>
    %xor3A_102 = arith.constant 4 : i32
    %xor3A_103 = vector.broadcast %xor3A_102 : i32 to vector<16xi32>
    %xor3A_104 = arith.xori %iota3A_87, %xor3A_103 : vector<16xi32>
    %reshape3A_105 = vector.shape_cast %xor3A_104 : vector<16xi32> to vector<16x1xi32>
    %gather3A_106 = vector.shape_cast %reshape3A_105 : vector<16x1xi32> to vector<16xi32>
    %gather3A_107 = tpu.dynamic_gather %add3A_101[%gather3A_106] in [0] : vector<16xf32>, vector<16xi32> -> vector<16xf32>
    %add3A_108 = arith.addf %add3A_101, %gather3A_107 : vector<16xf32>
    %xor3A_109 = arith.constant 8 : i32
    %xor3A_110 = vector.broadcast %xor3A_109 : i32 to vector<16xi32>
    %xor3A_111 = arith.xori %iota3A_87, %xor3A_110 : vector<16xi32>
    %reshape3A_112 = vector.shape_cast %xor3A_111 : vector<16xi32> to vector<16x1xi32>
    %gather3A_113 = vector.shape_cast %reshape3A_112 : vector<16x1xi32> to vector<16xi32>
    %gather3A_114 = tpu.dynamic_gather %add3A_108[%gather3A_113] in [0] : vector<16xf32>, vector<16xi32> -> vector<16xf32>
    %add3A_115 = arith.addf %add3A_108, %gather3A_114 : vector<16xf32>
    %div3A_116 = arith.divf %mul3A_86, %add3A_115 : vector<16xf32>
    %sub3A_117 = arith.subf %add3A_56, %max3A_84 : vector<16xf32>
    %mul3A_118 = arith.constant 1.000000e+04 : f32
    %mul3A_119 = vector.broadcast %mul3A_118 : f32 to vector<16xf32>
    %mul3A_120 = arith.mulf %mul3A_119, %sub3A_117 : vector<16xf32>
    %exp3A_121 = math.exp %mul3A_120 : vector<16xf32>
    %mul3A_122 = arith.mulf %exp3A_121, %get3A_4 : vector<16xf32>
    %sub3A_123 = arith.subf %mul3A_122, %div3A_116 : vector<16xf32>
    %mul3A_124 = arith.mulf %gather3A_40, %sub3A_123 : vector<16xf32>
    %add3A_125 = arith.addf %div3A_116, %mul3A_124 : vector<16xf32>
    %swap3A = arith.constant 0 : index
    %swap3A_126 = tpu.vector_load %arg5[%swap3A] {strides = array<i32>} : memref<16xf32, #tpu.memory_space<vmem>>, vector<16xf32>,
    %swap3A_127 = vector.shape_cast %swap3A_126 : vector<16xf32> to vector<16xf32>
    %swap3A_128 = vector.shape_cast %add3A_125 : vector<16xf32> to vector<16xf32>
    tpu.vector_store %arg5[%swap3A], %swap3A_128 {strides = array<i32>} : memref<16xf32, #tpu.memory_space<vmem>>, vector<16xf32>,
    "tpu.region"() ({
      %run_scoped3A = tpu.sem_alloc : memref<!tpu.dma_semaphore, #tpu.memory_space<semaphore_mem>>
      tpu.enqueue_dma source(%arg5 : memref<16xf32, #tpu.memory_space<vmem>>) target(%arg3 : memref<16xf32, #tpu.memory_space<hbm>>) target_semaphore(%run_scoped3A : memref<!tpu.dma_semaphore, #tpu.memory_space<semaphore_mem>>)
      tpu.wait_dma2 semaphore(%run_scoped3A : memref<!tpu.dma_semaphore, #tpu.memory_space<semaphore_mem>>) src(%arg5 : memref<16xf32, #tpu.memory_space<vmem>>) dst(%arg3 : memref<16xf32, #tpu.memory_space<hbm>>)
      tpu.yield
    }) : () -> ()
    return
  }
}

module attributes {stable_mosaic.version = 14 : i64} {
  func.func @_scale_body(%arg0: i32, %arg1: memref<1xf32, #tpu.memory_space<smem>>, %arg2: memref<1x8xf32, #tpu.memory_space<vmem>>, %arg3: memref<1x512x4096xf32, #tpu.memory_space<vmem>>, %arg4: memref<1x512x4096xf32, #tpu.memory_space<vmem>>, %arg5: memref<1xf32, #tpu.memory_space<smem>>) attributes {dimension_semantics = [#tpu.dimension_semantics<arbitrary>], iteration_bounds = array<i64: 32>, scalar_prefetch = 0 : i64, scratch_operands = 1 : i64, tpu.core_type = #tpu.core_type<tc>, window_params = [{transform_indices = @transform_0, window_bounds = array<i64: 1>}, {pipeline_mode = #tpu.pipeline_mode<synchronous>, transform_indices = @transform_1, window_bounds = array<i64: 1, 8>}, {transform_indices = @transform_2, window_bounds = array<i64: 1, 512, 4096>}, {transform_indices = @transform_3, window_bounds = array<i64: 1, 512, 4096>}]} {
    %jit3A = arith.constant 4 : i32
    %div3A = arith.divsi %arg0, %jit3A : i32
    %sign3A = arith.constant 0 : i32
    %sign3A_0 = arith.cmpi sgt, %arg0, %sign3A : i32
    %sign3A_1 = arith.extui %sign3A_0 : i1 to i32
    %sign3A_2 = arith.constant 0 : i32
    %sign3A_3 = arith.cmpi slt, %arg0, %sign3A_2 : i32
    %sign3A_4 = arith.extui %sign3A_3 : i1 to i32
    %sign3A_5 = arith.subi %sign3A_1, %sign3A_4 : i32
    %sign3A_6 = arith.constant 0 : i32
    %sign3A_7 = arith.cmpi sgt, %jit3A, %sign3A_6 : i32
    %sign3A_8 = arith.extui %sign3A_7 : i1 to i32
    %sign3A_9 = arith.constant 0 : i32
    %sign3A_10 = arith.cmpi slt, %jit3A, %sign3A_9 : i32
    %sign3A_11 = arith.extui %sign3A_10 : i1 to i32
    %sign3A_12 = arith.subi %sign3A_8, %sign3A_11 : i32
    %ne3A = arith.cmpi ne, %sign3A_5, %sign3A_12 : i32
    %rem3A = arith.remsi %arg0, %jit3A : i32
    %ne3A_13 = arith.constant 0 : i32
    %ne3A_14 = arith.cmpi ne, %rem3A, %ne3A_13 : i32
    %and3A = arith.andi %ne3A, %ne3A_14 : i1
    %sub3A = arith.constant 1 : i32
    %sub3A_15 = arith.subi %div3A, %sub3A : i32
    %select_n3A = arith.select %and3A, %sub3A_15, %div3A : i32
    %jit3A_16 = arith.constant 4 : i32
    %eq3A = arith.constant 0 : i32
    %eq3A_17 = arith.cmpi eq, %jit3A_16, %eq3A : i32
    %jit3A_18 = arith.constant 1 : i32
    %select_n3A_19 = arith.select %eq3A_17, %jit3A_18, %jit3A_16 : i32
    %rem3A_20 = arith.remsi %arg0, %select_n3A_19 : i32
    %ne3A_21 = arith.constant 0 : i32
    %ne3A_22 = arith.cmpi ne, %rem3A_20, %ne3A_21 : i32
    %lt3A = arith.constant 0 : i32
    %lt3A_23 = arith.cmpi slt, %rem3A_20, %lt3A : i32
    %lt3A_24 = arith.constant 0 : i32
    %lt3A_25 = arith.cmpi slt, %select_n3A_19, %lt3A_24 : i32
    %ne3A_26 = arith.xori %lt3A_23, %lt3A_25 : i1
    %and3A_27 = arith.andi %ne3A_26, %ne3A_22 : i1
    %add3A = arith.addi %rem3A_20, %select_n3A_19 : i32
    %select_n3A_28 = arith.select %and3A_27, %add3A, %rem3A_20 : i32
    %eq3A_29 = arith.constant 0 : i32
    %eq3A_30 = arith.cmpi eq, %select_n3A_28, %eq3A_29 : i32
    %convert_element_type3A = arith.extui %eq3A_30 : i1 to i32
    %cond3A = arith.constant 0 : i32
    %cond3A_31 = arith.cmpi ne, %convert_element_type3A, %cond3A : i32
    scf.if %cond3A_31 {
      %get3A_41 = arith.constant 0 : index
      %get3A_42 = arith.constant 0 : index
      %get3A_43 = vector.load %arg2[%get3A_41, %get3A_42] : memref<1x8xf32, #tpu.memory_space<vmem>>, vector<1x8xf32>
      %iota3A = tpu.iota {dimensions = array<i32: 1>} : vector<1x8xi32>
      %reduce_sum3A = vector.shape_cast %get3A_43 : vector<1x8xf32> to vector<1x1x8xf32>
      %reduce_sum3A_44 = arith.constant dense<0.000000e+00> : vector<1xf32>
      %reduce_sum3A_45 = vector.multi_reduction <add>, %reduce_sum3A, %reduce_sum3A_44 [1, 2] : vector<1x1x8xf32> to vector<1xf32>
      %reduce_sum3A_46 = vector.shape_cast %reduce_sum3A_45 : vector<1xf32> to vector<1x1x1xf32>
      %reduce_sum3A_47 = vector.extract %reduce_sum3A_46[0, 0, 0] : f32 from vector<1x1x1xf32>
      %eq3A_48 = arith.constant 0 : i32
      %eq3A_49 = vector.broadcast %eq3A_48 : i32 to vector<1x8xi32>
      %eq3A_50 = arith.cmpi eq, %iota3A, %eq3A_49 : vector<1x8xi32>
      %jit3A_51 = arith.constant 0.000000e+00 : f32
      %broadcast_in_dim3A = vector.broadcast %jit3A_51 : f32 to vector<1x8xf32>
      %select_n3A_52 = arith.select %eq3A_50, %get3A_43, %broadcast_in_dim3A : vector<1x8xi1>, vector<1x8xf32>
      %reduce_sum3A_53 = vector.shape_cast %select_n3A_52 : vector<1x8xf32> to vector<1x1x8xf32>
      %reduce_sum3A_54 = arith.constant dense<0.000000e+00> : vector<1xf32>
      %reduce_sum3A_55 = vector.multi_reduction <add>, %reduce_sum3A_53, %reduce_sum3A_54 [1, 2] : vector<1x1x8xf32> to vector<1xf32>
      %reduce_sum3A_56 = vector.shape_cast %reduce_sum3A_55 : vector<1xf32> to vector<1x1x1xf32>
      %reduce_sum3A_57 = vector.extract %reduce_sum3A_56[0, 0, 0] : f32 from vector<1x1x1xf32>
      %sub3A_58 = arith.subf %reduce_sum3A_47, %reduce_sum3A_57 : f32
      %div3A_59 = arith.constant 7.000000e+00 : f32
      %div3A_60 = arith.divf %sub3A_58, %div3A_59 : f32
      %eq3A_61 = arith.constant 0 : i32
      %eq3A_62 = vector.broadcast %eq3A_61 : i32 to vector<1x8xi32>
      %eq3A_63 = arith.cmpi eq, %iota3A, %eq3A_62 : vector<1x8xi32>
      %broadcast_in_dim3A_64 = vector.broadcast %div3A_60 : f32 to vector<1x8xf32>
      %select_n3A_65 = arith.select %eq3A_63, %broadcast_in_dim3A_64, %get3A_43 : vector<1x8xi1>, vector<1x8xf32>
      %reduce_max3A = vector.shape_cast %select_n3A_65 : vector<1x8xf32> to vector<1x1x8xf32>
      %reduce_max3A_66 = arith.constant dense<0xFF800000> : vector<1xf32>
      %reduce_max3A_67 = vector.multi_reduction <maximumf>, %reduce_max3A, %reduce_max3A_66 [1, 2] : vector<1x1x8xf32> to vector<1xf32>
      %reduce_max3A_68 = vector.shape_cast %reduce_max3A_67 : vector<1xf32> to vector<1x1x1xf32>
      %reduce_max3A_69 = vector.extract %reduce_max3A_68[0, 0, 0] : f32 from vector<1x1x1xf32>
      %sub3A_70 = vector.broadcast %reduce_max3A_69 : f32 to vector<1x8xf32>
      %sub3A_71 = arith.subf %select_n3A_65, %sub3A_70 : vector<1x8xf32>
      %exp3A = math.exp %sub3A_71 : vector<1x8xf32>
      %reduce_sum3A_72 = vector.shape_cast %exp3A : vector<1x8xf32> to vector<1x1x8xf32>
      %reduce_sum3A_73 = arith.constant dense<0.000000e+00> : vector<1xf32>
      %reduce_sum3A_74 = vector.multi_reduction <add>, %reduce_sum3A_72, %reduce_sum3A_73 [1, 2] : vector<1x1x8xf32> to vector<1xf32>
      %reduce_sum3A_75 = vector.shape_cast %reduce_sum3A_74 : vector<1xf32> to vector<1x1x1xf32>
      %reduce_sum3A_76 = vector.extract %reduce_sum3A_75[0, 0, 0] : f32 from vector<1x1x1xf32>
      %div3A_77 = vector.broadcast %reduce_sum3A_76 : f32 to vector<1x8xf32>
      %div3A_78 = arith.divf %exp3A, %div3A_77 : vector<1x8xf32>
      %eq3A_79 = vector.broadcast %reduce_max3A_69 : f32 to vector<1x8xf32>
      %eq3A_80 = arith.cmpf oeq, %select_n3A_65, %eq3A_79 : vector<1x8xf32>
      %jit3A_81 = arith.constant 8 : i32
      %broadcast_in_dim3A_82 = vector.broadcast %jit3A_81 : i32 to vector<1x8xi32>
      %select_n3A_83 = arith.select %eq3A_80, %iota3A, %broadcast_in_dim3A_82 : vector<1x8xi1>, vector<1x8xi32>
      %reduce_min3A = vector.shape_cast %select_n3A_83 : vector<1x8xi32> to vector<1x1x8xi32>
      %reduce_min3A_84 = arith.constant dense<2147483647> : vector<1xi32>
      %reduce_min3A_85 = vector.multi_reduction <minsi>, %reduce_min3A, %reduce_min3A_84 [1, 2] : vector<1x1x8xi32> to vector<1xi32>
      %reduce_min3A_86 = vector.shape_cast %reduce_min3A_85 : vector<1xi32> to vector<1x1x1xi32>
      %reduce_min3A_87 = vector.extract %reduce_min3A_86[0, 0, 0] : i32 from vector<1x1x1xi32>
      %eq3A_88 = vector.broadcast %reduce_min3A_87 : i32 to vector<1x8xi32>
      %eq3A_89 = arith.cmpi eq, %iota3A, %eq3A_88 : vector<1x8xi32>
      %convert_element_type3A_90 = arith.extui %eq3A_89 : vector<1x8xi1> to vector<1x8xi32>
      %convert_element_type3A_91 = arith.sitofp %convert_element_type3A_90 : vector<1x8xi32> to vector<1x8xf32>
      %get3A_92 = arith.constant 0 : index
      %get3A_93 = memref.load %arg1[%get3A_92] : memref<1xf32, #tpu.memory_space<smem>>
      %gt3A = arith.constant 5.000000e-01 : f32
      %gt3A_94 = arith.cmpf ogt, %get3A_93, %gt3A : f32
      %select_n3A_95 = arith.select %gt3A_94, %convert_element_type3A_91, %div3A_78 : vector<1x8xf32>
      %eq3A_96 = vector.broadcast %select_n3A : i32 to vector<1x8xi32>
      %eq3A_97 = arith.cmpi eq, %iota3A, %eq3A_96 : vector<1x8xi32>
      %jit3A_98 = arith.constant 0.000000e+00 : f32
      %broadcast_in_dim3A_99 = vector.broadcast %jit3A_98 : f32 to vector<1x8xf32>
      %select_n3A_100 = arith.select %eq3A_97, %select_n3A_95, %broadcast_in_dim3A_99 : vector<1x8xi1>, vector<1x8xf32>
      %reduce_sum3A_101 = vector.shape_cast %select_n3A_100 : vector<1x8xf32> to vector<1x1x8xf32>
      %reduce_sum3A_102 = arith.constant dense<0.000000e+00> : vector<1xf32>
      %reduce_sum3A_103 = vector.multi_reduction <add>, %reduce_sum3A_101, %reduce_sum3A_102 [1, 2] : vector<1x1x8xf32> to vector<1xf32>
      %reduce_sum3A_104 = vector.shape_cast %reduce_sum3A_103 : vector<1xf32> to vector<1x1x1xf32>
      %reduce_sum3A_105 = vector.extract %reduce_sum3A_104[0, 0, 0] : f32 from vector<1x1x1xf32>
      %swap3A_106 = arith.constant 0 : index
      %swap3A_107 = memref.load %arg5[%swap3A_106] : memref<1xf32, #tpu.memory_space<smem>>
      memref.store %reduce_sum3A_105, %arg5[%swap3A_106] : memref<1xf32, #tpu.memory_space<smem>>
    } else {
    }
    %get3A = arith.constant 0 : index
    %get3A_32 = arith.constant 0 : index
    %get3A_33 = arith.constant 0 : index
    %get3A_34 = vector.load %arg3[%get3A, %get3A_32, %get3A_33] : memref<1x512x4096xf32, #tpu.memory_space<vmem>>, vector<1x512x4096xf32>
    %get3A_35 = arith.constant 0 : index
    %get3A_36 = memref.load %arg5[%get3A_35] : memref<1xf32, #tpu.memory_space<smem>>
    %mul3A = vector.broadcast %get3A_36 : f32 to vector<1x512x4096xf32>
    %mul3A_37 = arith.mulf %get3A_34, %mul3A : vector<1x512x4096xf32>
    %swap3A = arith.constant 0 : index
    %swap3A_38 = arith.constant 0 : index
    %swap3A_39 = arith.constant 0 : index
    %swap3A_40 = vector.load %arg4[%swap3A, %swap3A_38, %swap3A_39] : memref<1x512x4096xf32, #tpu.memory_space<vmem>>, vector<1x512x4096xf32>
    tpu.vector_store %arg4[%swap3A, %swap3A_38, %swap3A_39], %mul3A_37 {strides = array<i32>} : memref<1x512x4096xf32, #tpu.memory_space<vmem>>, vector<1x512x4096xf32>,
    return
  }
  func.func @transform_0(%arg0: i32) -> i32 {
    %c0_i32 = arith.constant 0 : i32
    %c0_i32_0 = arith.constant 0 : i32
    return %c0_i32 : i32
  }
  func.func @transform_1(%arg0: i32) -> (i32, i32) {
    %c0_i32 = arith.constant 0 : i32
    %c0_i32_0 = arith.constant 0 : i32
    %c0_i32_1 = arith.constant 0 : i32
    return %c0_i32, %c0_i32_0 : i32, i32
  }
  func.func @transform_2(%arg0: i32) -> (i32, i32, i32) {
    %c0_i32 = arith.constant 0 : i32
    %c0_i32_0 = arith.constant 0 : i32
    %c0_i32_1 = arith.constant 0 : i32
    return %arg0, %c0_i32, %c0_i32_0 : i32, i32, i32
  }
  func.func @transform_3(%arg0: i32) -> (i32, i32, i32) {
    %c0_i32 = arith.constant 0 : i32
    %c0_i32_0 = arith.constant 0 : i32
    %c0_i32_1 = arith.constant 0 : i32
    return %arg0, %c0_i32, %c0_i32_0 : i32, i32, i32
  }
}

</mosaic_0001>

<sc_bundles>
// kernel: kernel.4.cloned.1.call-start
scs
__scs_entry_jumppad:
0x0: {  	(pc) =	sbr.rel $0x88, $3  }
0x1: {  	(tag) =	ssettag $0x0;
	lr =	simm.s32 $0x1  }
0x2: {  	[smem:$0x3F9E] =	sst lr;
	_ =	strace $0xD0000000  }
0x3: {  	_ = 	snop  }
0x4: {  	_ = 	snop  }
0x5: {  	_ = 	snop  }
0x6: {  	_ = 	snop  }
0x7: {  	_ = 	snop  }
__scs_overlays_trampoline_lowered:
0x8: {  	[smem:$0x3FAD] =	sst s0  }
0x9: {  	[smem:$0x3FAE] =	sst s1  }
0xa: {  	[smem:$0x3FAF] =	sst s2  }
0xb: {  	[smem:$0x3FB0] =	sst s3  }
0xc: {  	[smem:$0x3FB1] =	sst s4  }
0xd: {  	[smem:$0x3FB2] =	sst s5  }
0xe: {  	[smem:$0x3FB3] =	sst s6  }
0xf: {  	[smem:$0x3FB4] =	sst s7  }
0x10: {  	[smem:$0x3FB5] =	sst s8  }
0x11: {  	[smem:$0x3FB6] =	sst s9;
	s0 =	simm.s32 @!p0 $0x0  }
0x12: {  	s1 =	sld [smem:$0x3F9C];
	s0 =	simm.s32 @p0 $0x1  }
0x13: {  	[smem:$0x3FB7] =	sst s0;
	s0 =	simm.s32 @!p1 $0x0  }
0x14: {  	s2 =	sld [smem:$0x3F9B];
	s0 =	simm.s32 @p1 $0x1  }
0x15: {  	[smem:$0x3FB8] =	sst s0;
	s0 =	simm.s32 @!p2 $0x0  }
0x16: {  	s3 =	sld [smem:$0x3FDB];
	s0 =	simm.s32 @p2 $0x1  }
0x17: {  	s4 =	simm.s32 $0x1BF5;
	[smem:$0x3FBA] =	sst s0  }
0x18: {  	s0 =	sld [smem:$0x3F9D];
	_ =	swait.ge [sflag:s4], $0x0  }
0x19: {  	s7 =	sld [smem:$0x3F9E]  }
0x1a: {  	s8 =	sadd.s32 $0xFFFFE003, lr  }
0x1b: {  	s9 =	sadd.s32 $0xFFFFFEF7, lr;
	s5 =	simm.s32 $0xFFFFFFFF;
	p2 =	slt.u32 s8, $0xFFFFF086  }
0x1c: {  	p1 =	slt.u32 s9, $0xF7A;
	s5 =	simm.s32 @!p2 $0x0  }
0x1d: {  	s5 =	simm.s32 @p1 $0x1;
	p0 =	seq.s32 s7, s2  }
0x1e: {  	s7 =	smul.u32 @!p0 $0xF7A, s2;
	p2 =	seq.s32 @!p0 s5, $0x0  }
0x1f: {  	s9 =	smul.u32 $0xF7A, s1;
	s8 =	simm.s32 @!p0 $0x1BF5;
	p2 =	por !p2, p0  }
0x20: {  	[sflag:s8] =	ssyncset.s32 @!p0 $0xFFFFF086;
	s6 =	sadd.s32 @!p0 s3, s7;
	s7 =	simm.s32 @!p0 $0x108  }
0x21: {  	s3 =	sadd.s32 s3, s9;
	s6 =	sadd.s32 @!p0 $0x88, s6;
	s7 =	simm.s32 @p2 $0x1082  }
0x22: {  	[simem:s7], [sflag:s8] =	dma.local @!p0 [hbm:s6], $0xF7A  }
0x23: {  	s9 =	sor.u32 $0xD0000000, s2;
	s6 =	simm.s32 $0x108;
	_ =	swait.ge @!p0 [sflag:s8], $0x0  }
0x24: {  	s3 =	sadd.s32 $0x88, s3;
	s6 =	simm.s32 @!p1 $0x1082;
	[sflag:s4] =	ssyncset.s32 $0xFFFFF086  }
0x25: {  	[simem:s6], [sflag:s4] =	dma.local [hbm:s3], $0xF7A  }
0x26: {  	[smem:$0x3F9E] =	sst s1;
	(tag) =	ssettag s2;
	_ =	strace s9  }
0x27: {  	s1 =	sld [smem:$0x3FAE]  }
0x28: {  	s2 =	sld [smem:$0x3FAF]  }
0x29: {  	s4 =	sld [smem:$0x3FB1]  }
0x2a: {  	p0 =	seq.s32 s5, $0x0;
	s5 =	sld [smem:$0x3FB2]  }
0x2b: {  	s6 =	sld [smem:$0x3FB3]  }
0x2c: {  	s7 =	sld [smem:$0x3FB4]  }
0x2d: {  	s3 =	simm.s32 $0x108;
	s8 =	sld [smem:$0x3FB5]  }
0x2e: {  	s3 =	simm.s32 @!p0 $0x1082;
	s9 =	sld [smem:$0x3FB6]  }
0x2f: {  	lr =	sadd.s32 s0, s3;
	s0 =	sld [smem:$0x3FAD]  }
0x30: {  	s3 =	sld [smem:$0x3FB0]  }
0x31: {  	[smem:$0x3FB9] =	sst s10  }
0x32: {  	s10 =	sld [smem:$0x3FB7];
	_ =	sdelay $0x3  }
0x33: {  	p0 =	seq.s32 s10, $0x1;
	s10 =	sld [smem:$0x3FB9];
	_ =	sdelay $0x3  }
0x34: {  	[smem:$0x3FB9] =	sst s10  }
0x35: {  	s10 =	sld [smem:$0x3FB8];
	_ =	sdelay $0x3  }
0x36: {  	p1 =	seq.s32 s10, $0x1;
	s10 =	sld [smem:$0x3FB9];
	_ =	sdelay $0x3  }
0x37: {  	[smem:$0x3FB9] =	sst s10  }
0x38: {  	s10 =	sld [smem:$0x3FBA]  }
0x39: {  	_ = 	snop;
	(pc) =	sbr.ind lr, $3  }
0x3a: {  	_ = 	snop  }
0x3b: {  	_ = 	snop  }
0x3c: {  	p2 =	seq.s32 s10, $0x1;
	s10 =	sld [smem:$0x3FB9]  }
0x3d: {  	_ =	shalt  }
0x3e: {  	_ =	shalt  }
0x3f: {  	_ =	shalt  }
0x40: {  	_ =	shalt  }
0x41: {  	_ =	shalt  }
0x42: {  	_ =	shalt  }
0x43: {  	_ =	shalt  }
0x44: {  	_ =	shalt  }
0x45: {  	_ =	shalt  }
0x46: {  	_ =	shalt  }
0x47: {  	_ =	shalt  }
0x48: {  	_ =	shalt  }
0x49: {  	_ =	shalt  }
0x4a: {  	_ =	shalt  }
0x4b: {  	_ =	shalt  }
0x4c: {  	_ =	shalt  }
0x4d: {  	_ =	shalt  }
0x4e: {  	_ =	shalt  }
0x4f: {  	_ =	shalt  }
0x50: {  	_ =	shalt  }
0x51: {  	_ =	shalt  }
0x52: {  	_ =	shalt  }
0x53: {  	_ =	shalt  }
0x54: {  	_ =	shalt  }
0x55: {  	_ =	shalt  }
0x56: {  	_ =	shalt  }
0x57: {  	_ =	shalt  }
0x58: {  	_ =	shalt  }
0x59: {  	_ =	shalt  }
0x5a: {  	_ =	shalt  }
0x5b: {  	_ =	shalt  }
0x5c: {  	_ =	shalt  }
0x5d: {  	_ =	shalt  }
0x5e: {  	_ =	shalt  }
0x5f: {  	_ =	shalt  }
0x60: {  	_ =	shalt  }
0x61: {  	_ =	shalt  }
0x62: {  	_ =	shalt  }
0x63: {  	_ =	shalt  }
0x64: {  	_ =	shalt  }
0x65: {  	_ =	shalt  }
0x66: {  	_ =	shalt  }
0x67: {  	_ =	shalt  }
0x68: {  	_ =	shalt  }
0x69: {  	_ =	shalt  }
0x6a: {  	_ =	shalt  }
0x6b: {  	_ =	shalt  }
0x6c: {  	_ =	shalt  }
0x6d: {  	_ =	shalt  }
0x6e: {  	_ =	shalt  }
0x6f: {  	_ =	shalt  }
0x70: {  	_ =	shalt  }
0x71: {  	_ =	shalt  }
0x72: {  	_ =	shalt  }
0x73: {  	_ =	shalt  }
0x74: {  	_ =	shalt  }
0x75: {  	_ =	shalt  }
0x76: {  	_ =	shalt  }
0x77: {  	_ =	shalt  }
0x78: {  	_ =	shalt  }
0x79: {  	_ =	shalt  }
0x7a: {  	_ =	shalt  }
0x7b: {  	_ =	shalt  }
0x7c: {  	_ =	shalt  }
0x7d: {  	_ =	shalt  }
0x7e: {  	_ =	shalt  }
0x7f: {  	_ =	shalt  }
0x80: {  	_ =	shalt  }
0x81: {  	_ =	shalt  }
0x82: {  	_ =	shalt  }
0x83: {  	_ =	shalt  }
0x84: {  	_ =	shalt  }
0x85: {  	_ =	shalt  }
0x86: {  	_ =	shalt  }
0x87: {  	_ =	shalt  }
.Lfunc_end0:
.L_simem_size_0:
called_computation_lowered:
.L_overlay_start_0:
0x88: {  	s2 =	sld [smem:$0x3FD9]  }
0x89: {  	s3 =	sld [smem:$0x3FFE];
	_ =	sdelay $0x1  }
0x8a: {  	s1 =	srdreg.scid  }
0x8b: {  	s0 =	sand.u32 $0x1, s1  }
0x8c: {  	s16 =	sshll.u32 s0, $0xA;
	s2 =	sadd.s32 s3, s2  }
0x8d: {  	s2 =	sadd.s32 s2, s16  }
0x8e: {  	[smem:$0x3FC5] =	sst s2  }
0x8f: {  	_ = 	snop  }
0x90: {  	(tm) =	ssettm $0x1  }
0x91: {  	s17 =	sld [smem:$0x3FFB];
	_ =	sdelay $0x3  }
0x92: {  	_ =	strace s17  }
0x93: {  	s2 =	sld [smem:$0x3FFC];
	_ =	sdelay $0x3  }
0x94: {  	_ =	strace s2  }
0x95: {  	s2 =	sld [smem:$0x3FFD];
	_ =	sdelay $0x3  }
0x96: {  	_ =	strace s2  }
0x97: {  	_ =	strace $0x8FFFFFFF  }
0x98: {  	s18 =	sld [smem:$0x3FDB];
	_ =	sdelay $0x1  }
0x99: {  	s19 =	simm.s32 $_scs_section_size  }
0x9a: {  	s4 =	simm.s32 $_size__tile_overlayer_lowered;
	s5 =	simm.s32 $_tile_overlayer_lowered  }
0x9b: {  	s22 =	simm.s32 $0x1BFF;
	s21 =	sshll.u32 s5, $0x1;
	s2 =	sadd.s32 s19, s18  }
0x9c: {  	s6 =	simm.s32 $0x0;
	s20 =	sshll.u32 s4, $0x1;
	s4 =	sadd.s32 s21, s2  }
0x9d: {  	[timem:s6], [sflag:s22] =	dma.local [hbm:s4], s20  }
0x9e: {  	_ =	swait.ge [sflag:s22], s20  }
0x9f: {  	s3 =	ssub.s32 $0x0, s20;
	[sflag:s22] =	ssyncset.done $0x0  }
0xa0: {  	[sflag:s22] =	ssyncadd.s32 s3;
	_ =	sdelay $0x1  }
0xa1: {  	s23 =	simm.s32 $0x1B8B  }
0xa2: {  	_ =	swait.ge [sflag:s23], $0x1  }
0xa3: {  	[sflag:s23] =	ssyncset.done $0x0  }
0xa4: {  	s25 =	simm.s32 $0x1B8E;
	s24 =	sld [smem:$0x3FFE];
	[sflag:s23] =	ssyncadd.s32 $0xFFFFFFFF  }
0xa5: {  	s26 =	simm.s32 $execute0_lowered;
	[smem:$0x3FD2] =	sst s25  }
0xa6: {  	s4 =	sshll.u32 s26, $0x1;
	_ =	strace $0x80000046;
	[dreg:$0x1] =	wrdreg $0xFFFFFFFF  }
0xa7: {  	s28 =	simm.s32 $_size_execute0_lowered;
	s2 =	sadd.s32 s2, s4;
	[dreg:$0x0] =	wrdreg $0x0  }
0xa8: {  	s4 =	sshll.u32 s28, $0x1;
	[dreg:$0x2] =	wrdreg s2  }
0xa9: {  	[dreg:$0x3] =	wrdreg s4  }
0xaa: {  	[dreg:$0x4] =	wrdreg $0xC0  }
0xab: {  	_ =	task [dreg:s6], $0x5FFFF  }
0xac: {  	[dreg:$0x1] =	wrdreg $0xFFFFFFFF  }
0xad: {  	[dreg:$0x0] =	wrdreg $0x60  }
0xae: {  	[dreg:$0x2] =	wrdreg s24  }
0xaf: {  	[dreg:$0x3] =	wrdreg $0x9  }
0xb0: {  	_ =	task.clear_ibuf [dreg:s6], $0x4FFFF;
	_ =	strace $0x90000046  }
0xb1: {  	s29 =	simm.s32 $0x9;
	_ =	strace $0x80000048  }
0xb2: {  	_ =	swait.ge [sflag:s29], $0x1  }
0xb3: {  	[sflag:s29] =	ssyncadd.s32 $0xFFFFFFFF  }
0xb4: {  	_ =	strace $0x90000048  }
0xb5: {  	_ =	sfence  }
0xb6: {  	s30 =	sld [smem:$0x0];
	_ =	sdelay $0x2  }
0xb7: {  	s31 =	sshll.u32 s1, $0xD;
	s1 =	sshrl.u32 s1, $0x2  }
0xb8: {  	s3 =	sand.u32 $0x4000, s31;
	s1 =	sadd.s32 s1, s30  }
0xb9: {  	s0 =	sor.u32 s3, s0;
	s1 =	sshll.u32 s1, $0x11  }
0xba: {  	s0 =	sor.u32 s1, s0  }
0xbb: {  	s0 =	sadd.s32 $0x8F2B, s0  }
0xbc: {  	[sflag:s0] =	ssyncadd.remote.s32 $0x1  }
0xbd: {  	_ =	sfence.sel $0xFFFF  }
0xbe: {  	[dreg:$0x0] =	wrdreg $0xFFFFFFFF;
	(pc) =	sbr.abs _section_cstart, $3  }
0xbf: {  	[dreg:$0x1] =	wrdreg $0xFFFFFFFF  }
0xc0: {  	_ =	task.clear_ibuf [dreg:s6], $0x2FFFF;
	_ =	strace $0x9FFFFFFF  }
0xc1: {  	(tm) =	ssettm $0x7FFFFFFF  }
tec
execute0_lowered:
.L_overlay_start_1:
0x0: {  	(tag) =	ssettag $0x1  }
0x1: {  	s4 =	rddreg [dreg:$0x0]  }
0x2: {  	s0 =	rddreg [dreg:$0x1];
	_ =	strace $0x80000047;
	v0 =	vimm.f32 $7.000000000e+00  }
0x3: {  	(erf) = vrcp.f32 v0;
	_ =	sdelay $0x7  }
0x4: {  	s3 =	simm.s32 $0x0;
	s1 =	simm.s32 $0x1;
	s2 =	sadd.s32 $0x600, s4  }
0x5: {  	[tilespmem:s3], [sflag:$0x1] =	stream.linear.gather [hbm4b:s2+s3], $0x80, $0x38;
	v0 =	vpop (erf);
	[tilespmem:$0x100] =	vst v63  }
0x6: {  	_ =	swait.ge [sflag:s1], $0x80  }
0x7: {  	[sflag:s1] =	ssyncset.done $0x0  }
0x8: {  	[sflag:s1] =	ssyncadd.s32 $0xFFFFFF80  }
0x9: {  	v1 =	vimm.s32 $0xEFCDAB89;
	v2 =	vimm.s32 $0x67452301;
	v7 =	vld [tilespmem:$0x0]  }
0xa: {  	v1 =	vunpack.c.l.s4.s8 v1;
	v2 =	vunpack.c.l.s4.s8 v2;
	v6 =	vld [tilespmem:$0x10];
	_ =	sdelay $0x1  }
0xb: {  	v1 =	vunpack.c.0.s8.s32 v1;
	v2 =	vunpack.c.0.s8.s32 v2  }
0xc: {  	v3 =	vimm.s32 $0xDCFE98BA;
	v4 =	vimm.s32 $0x54761032  }
0xd: {  	v1 =	vcombine.low v2, v1;
	v2 =	vunpack.c.l.s4.s8 v3;
	v3 =	vunpack.c.l.s4.s8 v4  }
0xe: {  	v4 =	vmul.f32 v6, v7  }
0xf: {  	v1 =	vand.u32 $0xF, v1;
	v2 =	vunpack.c.0.s8.s32 v2;
	v3 =	vunpack.c.0.s8.s32 v3  }
0x10: {  	v5 =	vimm.s32 $0xBA98FEDC;
	v8 =	vimm.s32 $0x32107654;
	v9 =	vperm.xlane v4, v1  }
0x11: {  	v2 =	vcombine.low v3, v2;
	v3 =	vunpack.c.l.s4.s8 v5;
	v5 =	vunpack.c.l.s4.s8 v8  }
0x12: {  	v4 =	vadd.f32 v9, v4  }
0x13: {  	v2 =	vand.u32 $0xF, v2;
	v3 =	vunpack.c.0.s8.s32 v3;
	v5 =	vunpack.c.0.s8.s32 v5  }
0x14: {  	v8 =	vimm.s32 $0xFEDCBA98;
	v9 =	vperm.xlane v4, v2  }
0x15: {  	v8 =	vunpack.c.l.s4.s8 v8;
	v3 =	vcombine.low v5, v3;
	v5 =	vimm.s32 $0x76543210  }
0x16: {  	v5 =	vunpack.c.l.s4.s8 v5;
	v9 =	vadd.f32 v9, v4  }
0x17: {  	v3 =	vand.u32 $0xF, v3;
	v4 =	vunpack.c.0.s8.s32 v8  }
0x18: {  	v5 =	vunpack.c.0.s8.s32 v5;
	v8 =	vperm.xlane v9, v3  }
0x19: {  	v4 =	vand.u32 $0xF, v4  }
0x1a: {  	v4 =	vcombine.low v4, v5;
	v8 =	vadd.f32 v8, v9;
	_ =	sdelay $0x1  }
0x1b: {  	v9 =	vperm.xlane v8, v4  }
0x1c: {  	v10 =	vld [tilespmem:$0x20];
	v5 =	vimm.s32 $0x0  }
0x1d: {  	v11 =	vperm.xlane v7, v5;
	v8 =	vadd.f32 v9, v8;
	_ =	sdelay $0x1  }
0x1e: {  	v8 =	vsub.f32 v8, v11;
	_ =	sdelay $0x1  }
0x1f: {  	v58 =	vsub.f32 $1.000000000e+00, v10;
	v8 =	vmul.f32 v8, v0;
	_ =	sdelay $0x1  }
0x20: {  	v9 =	vmul.f32 v58, v7;
	v8 =	vmul.f32 v8, v10;
	_ =	sdelay $0x1  }
0x21: {  	v59 =	vsub.f32 $1.000000000e+00, v6;
	v8 =	vadd.f32 v8, v9;
	_ =	sdelay $0x1  }
0x22: {  	v60 =	vmul.f32 $-1.000000020e+30, v59;
	v8 =	vmul.f32 v8, v6;
	_ =	sdelay $0x1  }
0x23: {  	v8 =	vadd.f32 v60, v8;
	_ =	sdelay $0x1  }
0x24: {  	v9 =	vperm.xlane v8, v1;
	_ =	sdelay $0x1  }
0x25: {  	v9 =	vmax.f32 v8, v9  }
0x26: {  	v61 =	vperm.xlane v9, v2;
	_ =	sdelay $0x1  }
0x27: {  	v9 =	vmax.f32 v9, v61  }
0x28: {  	v10 =	vperm.xlane v9, v3;
	_ =	sdelay $0x1  }
0x29: {  	v9 =	vmax.f32 v9, v10  }
0x2a: {  	v10 =	vperm.xlane v9, v4;
	_ =	sdelay $0x1  }
0x2b: {  	v9 =	vmax.f32 v9, v10  }
0x2c: {  	v8 =	vsub.f32 v8, v9;
	_ =	sdelay $0x1  }
0x2d: {  	v9 =	vmul.f32 $1.442695020e+00, v8;
	_ =	sdelay $0x1  }
0x2e: {  	(erf) = vpow2.f32 v9;
	_ =	sdelay $0x8  }
0x2f: {  	v9 =	vpop (erf)  }
0x30: {  	v9 =	vmul.f32 v9, v6;
	_ =	sdelay $0x1  }
0x31: {  	v62 =	vperm.xlane v9, v1;
	_ =	sdelay $0x1  }
0x32: {  	v10 =	vadd.f32 v9, v62;
	_ =	sdelay $0x1  }
0x33: {  	v63 =	vperm.xlane v10, v2;
	_ =	sdelay $0x1  }
0x34: {  	v10 =	vadd.f32 v10, v63;
	_ =	sdelay $0x1  }
0x35: {  	v11 =	vperm.xlane v10, v3;
	_ =	sdelay $0x1  }
0x36: {  	v10 =	vadd.f32 v10, v11  }
0x37: {  	v8 =	vmul.f32 $1.000000000e+04, v8  }
0x38: {  	v11 =	vperm.xlane v10, v4  }
0x39: {  	v8 =	vmul.f32 $1.442695020e+00, v8  }
0x3a: {  	v10 =	vadd.f32 v10, v11  }
0x3b: {  	(erf) = vpow2.f32 v8  }
0x3c: {  	(erf) = vrcp.f32 v10;
	_ =	sdelay $0x7  }
0x3d: {  	v8 =	vpop (erf)  }
0x3e: {  	s5 =	srdreg.scid;
	v10 =	vpop (erf)  }
0x3f: {  	s5 =	sand.u32 $0x1, s5;
	v8 =	vmul.f32 v8, v6;
	v9 =	vmul.f32 v10, v9  }
0x40: {  	s5 =	ssub.s32 $0x2, s5;
	v6 =	vimm.s32 $0x8  }
0x41: {  	s6 =	sshrl.u32 s5, $0x1;
	v7 =	vperm.xlane v7, v6;
	v8 =	vsub.f32 v8, v9  }
0x42: {  	s6 =	ssub.s32 s5, s6  }
0x43: {  	s7 =	smax.u32 s6, $0x1;
	v7 =	vmul.f32 v8, v7  }
0x44: {  	p0 =	sne.s32 s7, $0x1  }
.Ltmp0:
0x45: {  	v7 =	vadd.f32 v7, v9;
	(pc) =	sbr.rel @!p0 .LBB2_2-.Ltmp0, $4  }
0x46: {  	_ = 	snop  }
0x47: {  	s5 =	sadd.s32 $0x800, s4;
	s6 =	simm.s32 $0x80;
	[tilespmem:$0x80] =	vst v7  }
0x48: {  	[hbm4b:s5+s3] =	stream.linear.scatter [tilespmem:s6], [sflag:$0x1], $0x80, $0x38;
	[tilespmem:$0x100] =	vst v63  }
0x49: {  	s4 =	stileid.u32;
	s7 =	sadd.s32 $0xFFFFFFFF, s7;
	_ =	swait.ge [sflag:s1], $0x80  }
.LBB2_1:
0x4a: {  	p0 =	sne.s32 s7, $0x1;
	s7 =	sadd.s32 $0xFFFFFFFF, s7;
	[sflag:s1] =	ssyncset.done $0x0  }
0x4b: {  	[sflag:s1] =	ssyncadd.s32 $0xFFFFFF80  }
0x4c: {  	[tilespmem:s3], [sflag:$0x1] =	stream.linear.gather [hbm4b:s2+s3], $0x80, $0x38;
	[tilespmem:$0x100] =	vst v63  }
0x4d: {  	_ =	swait.ge [sflag:s1], $0x80  }
0x4e: {  	[sflag:s1] =	ssyncset.done $0x0  }
0x4f: {  	[sflag:s1] =	ssyncadd.s32 $0xFFFFFF80  }
0x50: {  	v7 =	vld [tilespmem:$0x0]  }
0x51: {  	v8 =	vld [tilespmem:$0x10];
	_ =	sdelay $0x4  }
0x52: {  	v9 =	vmul.f32 v8, v7;
	v10 =	vsub.f32 $1.000000000e+00, v8;
	_ =	sdelay $0x1  }
0x53: {  	v11 =	vperm.xlane v9, v1;
	_ =	sdelay $0x1  }
0x54: {  	v9 =	vadd.f32 v11, v9;
	_ =	sdelay $0x1  }
0x55: {  	v11 =	vperm.xlane v9, v2;
	_ =	sdelay $0x1  }
0x56: {  	v9 =	vadd.f32 v11, v9;
	_ =	sdelay $0x1  }
0x57: {  	v11 =	vperm.xlane v9, v3;
	_ =	sdelay $0x1  }
0x58: {  	v9 =	vadd.f32 v11, v9;
	_ =	sdelay $0x1  }
0x59: {  	v11 =	vld [tilespmem:$0x20];
	v12 =	vperm.xlane v9, v4  }
0x5a: {  	v13 =	vperm.xlane v7, v5  }
0x5b: {  	v9 =	vadd.f32 v12, v9;
	_ =	sdelay $0x1  }
0x5c: {  	v9 =	vsub.f32 v9, v13  }
0x5d: {  	v12 =	vsub.f32 $1.000000000e+00, v11  }
0x5e: {  	v9 =	vmul.f32 v9, v0  }
0x5f: {  	v12 =	vmul.f32 v12, v7  }
0x60: {  	v9 =	vmul.f32 v9, v11;
	_ =	sdelay $0x1  }
0x61: {  	v9 =	vadd.f32 v9, v12  }
0x62: {  	v10 =	vmul.f32 $-1.000000020e+30, v10  }
0x63: {  	v9 =	vmul.f32 v9, v8;
	_ =	sdelay $0x1  }
0x64: {  	v9 =	vadd.f32 v10, v9;
	_ =	sdelay $0x1  }
0x65: {  	v10 =	vperm.xlane v9, v1;
	_ =	sdelay $0x1  }
0x66: {  	v10 =	vmax.f32 v9, v10  }
0x67: {  	v11 =	vperm.xlane v10, v2;
	_ =	sdelay $0x1  }
0x68: {  	v10 =	vmax.f32 v10, v11  }
0x69: {  	v11 =	vperm.xlane v10, v3;
	_ =	sdelay $0x1  }
0x6a: {  	v10 =	vmax.f32 v10, v11  }
0x6b: {  	v11 =	vperm.xlane v10, v4;
	_ =	sdelay $0x1  }
0x6c: {  	v10 =	vmax.f32 v10, v11  }
0x6d: {  	v9 =	vsub.f32 v9, v10;
	_ =	sdelay $0x1  }
0x6e: {  	v10 =	vmul.f32 $1.442695020e+00, v9;
	v9 =	vmul.f32 $1.000000000e+04, v9;
	_ =	sdelay $0x1  }
0x6f: {  	v9 =	vmul.f32 $1.442695020e+00, v9;
	(erf) = vpow2.f32 v10;
	_ =	sdelay $0x1  }
0x70: {  	(erf) = vpow2.f32 v9;
	_ =	sdelay $0x6  }
0x71: {  	v9 =	vpop (erf)  }
0x72: {  	v9 =	vmul.f32 v9, v8  }
0x73: {  	v10 =	vpop (erf)  }
0x74: {  	v11 =	vperm.xlane v9, v1;
	v8 =	vmul.f32 v10, v8;
	_ =	sdelay $0x1  }
0x75: {  	v10 =	vadd.f32 v9, v11;
	_ =	sdelay $0x1  }
0x76: {  	v11 =	vperm.xlane v10, v2;
	_ =	sdelay $0x1  }
0x77: {  	v10 =	vadd.f32 v10, v11;
	_ =	sdelay $0x1  }
0x78: {  	v11 =	vperm.xlane v10, v3;
	_ =	sdelay $0x1  }
0x79: {  	v10 =	vadd.f32 v10, v11;
	_ =	sdelay $0x1  }
0x7a: {  	v11 =	vperm.xlane v10, v4;
	_ =	sdelay $0x1  }
0x7b: {  	v10 =	vadd.f32 v10, v11;
	_ =	sdelay $0x1  }
0x7c: {  	(erf) = vrcp.f32 v10;
	_ =	sdelay $0x8  }
0x7d: {  	v10 =	vpop (erf)  }
0x7e: {  	v9 =	vmul.f32 v10, v9  }
0x7f: {  	v7 =	vperm.xlane v7, v6  }
0x80: {  	v8 =	vsub.f32 v8, v9;
	_ =	sdelay $0x1  }
0x81: {  	v7 =	vmul.f32 v8, v7;
	_ =	sdelay $0x1  }
.Ltmp1:
0x82: {  	v7 =	vadd.f32 v7, v9;
	(pc) =	sbr.rel @p0 .LBB2_1-.Ltmp1, $4  }
0x83: {  	_ = 	snop  }
0x84: {  	[tilespmem:$0x80] =	vst v7  }
0x85: {  	[hbm4b:s5+s3] =	stream.linear.scatter [tilespmem:s6], [sflag:$0x1], $0x80, $0x38;
	[tilespmem:$0x100] =	vst v63  }
0x86: {  	_ =	swait.ge [sflag:s1], $0x80  }
.LBB2_2:
0x87: {  	[sflag:s1] =	ssyncset.done $0x0  }
0x88: {  	[sflag:s1] =	ssyncadd.s32 $0xFFFFFF80  }
0x89: {  	_ =	sfence.sel $0x180000  }
0x8a: {  	[bflag:$0x0] =	sbarrier.arrive $0xFFFF  }
0x8b: {  	p0 =	sne.s32 s4, $0x0;
	_ =	strace $0x90000047  }
0x8c: {  	s0 =	sadd.s32 @!p0 $0x100000, s0;
	[bflag:$0x2] =	sbarrier.arrive $0xFFFF  }
0x8d: {  	[sflag:s0] =	ssyncadd.tile.s32 @!p0 $0x1;
	_ =	shalt  }
.Lfunc_end2:
_tile_overlayer_lowered:
.L_overlay_start_2:
0x8e: {  	(tag) =	ssettag $0x2  }
0x8f: {  	s0 =	rddreg [dreg:$0x0];
	s2 =	stileid.u32  }
0x90: {  	s1 =	rddreg [dreg:$0x1];
	p0 =	sne.s32 s2, $0x0  }
0x91: {  	s3 =	rddreg [dreg:$0x2];
	[bflag:$0x3] =	sbarrier.arrive $0xFFFF;
	s2 =	simm.s32 @!p0 $0x1C01  }
0x92: {  	[timem:s3], [sflag:s2] =	dma.local @!p0 [hbm:s0], s1  }
0x93: {  	s0 =	simm.s32 @!p0 $0x1  }
0x94: {  	_ =	swait.ge @!p0 [sflag:s0], s1  }
0x95: {  	s1 =	ssub.s32 @!p0 $0x0, s1;
	[sflag:s0] =	ssyncset.done @!p0 $0x0  }
0x96: {  	[sflag:s0] =	ssyncadd.s32 @!p0 s1  }
0x97: {  	[bflag:$0x3] =	sbarrier.arrive $0xFFFF  }
0x98: {  	_ =	shalt  }

</sc_bundles>
